<compile_context>
chip_gen: v7x
topology: tpu7x:2x2x1
jax: 0.10.2.dev20260603
libtpu: 0.0.44.dev20260713+nightly
codegen_flags: <defaults>
</compile_context>

<pallas_src>
import functools

import jax
import jax.numpy as jnp
from jax import lax
from jax.experimental import pallas as pl
from jax.experimental.pallas import tpu as pltpu
from jax.experimental.pallas import tpu_sc as plsc

_N_ROWS = 100000
_D = 128
_N_IDX = 425984
_NW = 32
_BPW = _N_IDX // _NW
_C = 208
_NCHUNK = _BPW // _C

_mesh = plsc.VectorSubcoreMesh(core_axis_name="c", subcore_axis_name="s")


@functools.partial(
    pl.kernel,
    mesh=_mesh,
    out_type=(
        jax.ShapeDtypeStruct((_N_IDX,), jnp.int32),
        jax.ShapeDtypeStruct((_N_IDX, _D), jnp.float32),
    ),
    scratch_types=[
        pltpu.VMEM((_BPW,), jnp.int32),
        pltpu.VMEM((4, _C, _D), jnp.float32),
        pltpu.SemaphoreType.DMA,
        pltpu.SemaphoreType.DMA,
    ],
)
def _gather_rows(table_hbm, idx_hbm, idx_out_hbm, out_hbm,
                 idx_v, rows_v, sem_in, sem_out):
    wid = lax.axis_index("s") * 2 + lax.axis_index("c")
    base = wid * _BPW
    pltpu.sync_copy(idx_hbm.at[pl.ds(base, _BPW)], idx_v)

    def gather_desc(j, buf):
        return pltpu.make_async_copy(
            table_hbm.at[idx_v.at[pl.ds(j * _C, _C)]], rows_v.at[buf], sem_in
        )

    def out_desc(j, buf):
        return pltpu.make_async_copy(
            rows_v.at[buf], out_hbm.at[pl.ds(base + j * _C, _C)], sem_out
        )

    gather_desc(0, 0).start()
    gather_desc(1, 1).start()

    def body(j, carry):
        b = j % 4

        @pl.when(j >= 2)
        def _():
            out_desc(j - 2, (j - 2) % 4).wait()

        @pl.when(j + 2 < _NCHUNK)
        def _():
            gather_desc(j + 2, (j + 2) % 4).start()

        gather_desc(j, b).wait()
        out_desc(j, b).start()
        return carry

    lax.fori_loop(0, _NCHUNK, body, 0)

    pltpu.sync_copy(idx_v, idx_out_hbm.at[pl.ds(base, _BPW)])

    out_desc(_NCHUNK - 2, (_NCHUNK - 2) % 4).wait()
    out_desc(_NCHUNK - 1, (_NCHUNK - 1) % 4).wait()


_COPY_ROWS = 800


def _copy_body(x_ref, o_ref):
    o_ref[...] = x_ref[...]


_tc_copy = pl.pallas_call(
    _copy_body,
    grid=(_N_ROWS // _COPY_ROWS,),
    in_specs=[pl.BlockSpec((_COPY_ROWS, _D), lambda i: (i, 0))],
    out_specs=pl.BlockSpec((_COPY_ROWS, _D), lambda i: (i, 0)),
    out_shape=jax.ShapeDtypeStruct((_N_ROWS, _D), jnp.float32),
)


def kernel(input, index, _):
    idx_out, out = _gather_rows(input, index)
    inp_out = _tc_copy(input)
    return (inp_out, idx_out, out)

# --- scband reference (transcript-rebuilt; emitter-appended) ---
"""Pipeline reference for scband-index-select-op-44306882625555 (READ-ONLY COPY).

The authoritative reference and input builder live on the scoring server;
editing this copy changes nothing except your own understanding.
"""

import jax, jax.numpy as jnp
import numpy as np

N_ROWS = 100000
D = 128
N_IDX = 425984

def setup_inputs(seed: int = 0) -> dict:
    key = jax.random.key(seed)
    k1, k2 = jax.random.split(key)
    inp = jax.random.normal(k1, (N_ROWS, D), dtype=jnp.float32)
    index = jax.random.randint(k2, (N_IDX,), 0, N_ROWS, dtype=jnp.int32)
    placeholder = jnp.zeros((1,), dtype=jnp.float32)
    return {"input": inp, "index": index, "_": placeholder}

def reference(input, index, _):
    # Faithful translation of IndexSelectOp.forward:
    # returns (input, index, input.index_select(dim=0, index))
    out = jnp.take(input, index, axis=0)
    return (input, index, out)

if __name__ == "__main__":
    import jax
    _d = setup_inputs()
    print(jax.jit(kernel)(*tuple(_d.values())))

</pallas_src>

<mosaic_0001>
#map = affine_map<(d0, d1) -> (0, 0)>
#map1 = affine_map<(d0, d1) -> (0)>
module attributes {stable_mosaic.version = 14 : i64} {
  func.func @_gather_rows(%arg0: i32, %arg1: i32, %arg2: memref<100000x128xf32, #tpu.memory_space<hbm>>, %arg3: memref<425984xi32, #tpu.memory_space<hbm>>, %arg4: memref<425984xi32, #tpu.memory_space<hbm>>, %arg5: memref<425984x128xf32, #tpu.memory_space<hbm>>, %arg6: memref<13312xi32, #tpu.memory_space<vmem>>, %arg7: memref<4x208x128xf32, #tpu.memory_space<vmem>>, %arg8: memref<!tpu.dma_semaphore, #tpu.memory_space<semaphore_mem>>, %arg9: memref<!tpu.dma_semaphore, #tpu.memory_space<semaphore_mem>>) attributes {dimension_semantics = [#tpu.dimension_semantics<core_parallel>, #tpu.dimension_semantics<subcore_parallel>], iteration_bounds = array<i64: 2, 16>, scalar_prefetch = 0 : i64, scratch_operands = 4 : i64, tpu.core_type = #tpu.core_type<sc_vector_subcore>, window_params = [{transform_indices = #map}, {transform_indices = #map1}, {transform_indices = #map1}, {transform_indices = #map}]} {
    %mul3A = arith.constant 2 : i32
    %mul3A_0 = arith.muli %arg1, %mul3A : i32
    %add3A = arith.addi %mul3A_0, %arg0 : i32
    %mul3A_1 = arith.constant 13312 : i32
    %mul3A_2 = arith.muli %add3A, %mul3A_1 : i32
    "tpu.region"() ({
      %run_scoped3A = tpu.sem_alloc : memref<!tpu.dma_semaphore, #tpu.memory_space<semaphore_mem>>
      %dma_start3A_56 = tpu.memref_slice %arg3[%mul3A_2] : memref<425984xi32, #tpu.memory_space<hbm>> -> memref<13312xi32, #tpu.memory_space<hbm>>
      %dma_start3A_57 = tpu.memref_slice %arg3[%mul3A_2] : memref<425984xi32, #tpu.memory_space<hbm>> -> memref<13312xi32, #tpu.memory_space<hbm>>
      tpu.enqueue_dma source(%dma_start3A_57 : memref<13312xi32, #tpu.memory_space<hbm>>) target(%arg6 : memref<13312xi32, #tpu.memory_space<vmem>>) target_semaphore(%run_scoped3A : memref<!tpu.dma_semaphore, #tpu.memory_space<semaphore_mem>>)
      %dma_wait3A_58 = tpu.memref_slice %arg3[%mul3A_2] : memref<425984xi32, #tpu.memory_space<hbm>> -> memref<13312xi32, #tpu.memory_space<hbm>>
      %dma_wait3A_59 = tpu.memref_slice %arg3[%mul3A_2] : memref<425984xi32, #tpu.memory_space<hbm>> -> memref<13312xi32, #tpu.memory_space<hbm>>
      tpu.wait_dma2 semaphore(%run_scoped3A : memref<!tpu.dma_semaphore, #tpu.memory_space<semaphore_mem>>) src(%dma_wait3A_59 : memref<13312xi32, #tpu.memory_space<hbm>>) dst(%arg6 : memref<13312xi32, #tpu.memory_space<vmem>>)
      tpu.yield
    }) : () -> ()
    %dma_start3A = arith.constant 0 : i32
    %dma_start3A_3 = arith.constant 0 : i32
    %dma_start3A_4 = arith.constant 0 : i32
    %dma_start3A_5 = tpu.memref_slice %arg7[%dma_start3A, %dma_start3A_3, %dma_start3A_4] : memref<4x208x128xf32, #tpu.memory_space<vmem>> -> memref<1x208x128xf32, #tpu.memory_space<vmem>>
    %dma_start3A_6 = tpu.memref_squeeze %dma_start3A_5 : memref<1x208x128xf32, #tpu.memory_space<vmem>> -> memref<208x128xf32, #tpu.memory_space<vmem>>
    %dma_start3A_7 = arith.constant 0 : i32
    %dma_start3A_8 = tpu.memref_slice %arg6[%dma_start3A_7] : memref<13312xi32, #tpu.memory_space<vmem>> -> memref<208xi32, #tpu.memory_space<vmem>>
    %dma_start3A_9 = arith.constant 0 : i32
    %dma_start3A_10 = arith.constant 0 : i32
    %dma_start3A_11 = tpu.memref_slice %arg2[%dma_start3A_9, %dma_start3A_10] : memref<100000x128xf32, #tpu.memory_space<hbm>> -> memref<100000x128xf32, #tpu.memory_space<hbm>>
    tpu.enqueue_indirect_dma source(%dma_start3A_11 : memref<100000x128xf32, #tpu.memory_space<hbm>>) target(%dma_start3A_6 : memref<208x128xf32, #tpu.memory_space<vmem>>) offsets(%dma_start3A_8 : memref<208xi32, #tpu.memory_space<vmem>>) semaphore(%arg8 : memref<!tpu.dma_semaphore, #tpu.memory_space<semaphore_mem>>)
    %dma_start3A_12 = arith.constant 1 : i32
    %dma_start3A_13 = arith.constant 0 : i32
    %dma_start3A_14 = arith.constant 0 : i32
    %dma_start3A_15 = tpu.memref_slice %arg7[%dma_start3A_12, %dma_start3A_13, %dma_start3A_14] : memref<4x208x128xf32, #tpu.memory_space<vmem>> -> memref<1x208x128xf32, #tpu.memory_space<vmem>>
    %dma_start3A_16 = tpu.memref_squeeze %dma_start3A_15 : memref<1x208x128xf32, #tpu.memory_space<vmem>> -> memref<208x128xf32, #tpu.memory_space<vmem>>
    %dma_start3A_17 = arith.constant 208 : i32
    %dma_start3A_18 = tpu.memref_slice %arg6[%dma_start3A_17] : memref<13312xi32, #tpu.memory_space<vmem>> -> memref<208xi32, #tpu.memory_space<vmem>>
    %dma_start3A_19 = arith.constant 0 : i32
    %dma_start3A_20 = arith.constant 0 : i32
    %dma_start3A_21 = tpu.memref_slice %arg2[%dma_start3A_19, %dma_start3A_20] : memref<100000x128xf32, #tpu.memory_space<hbm>> -> memref<100000x128xf32, #tpu.memory_space<hbm>>
    tpu.enqueue_indirect_dma source(%dma_start3A_21 : memref<100000x128xf32, #tpu.memory_space<hbm>>) target(%dma_start3A_16 : memref<208x128xf32, #tpu.memory_space<vmem>>) offsets(%dma_start3A_18 : memref<208xi32, #tpu.memory_space<vmem>>) semaphore(%arg8 : memref<!tpu.dma_semaphore, #tpu.memory_space<semaphore_mem>>)
    %scan3A = arith.constant 0 : i32
    %scan3A_22 = arith.constant 0 : i32
    %scan3A_23 = arith.constant 64 : i32
    %scan3A_24 = arith.addi %scan3A_22, %scan3A_23 : i32
    %scan3A_25 = arith.constant 1 : i32
    scf.for %scan3A_56 = %scan3A_22 to %scan3A_24 step %scan3A_25  : i32 {
      %jit3A = arith.constant 4 : i32
      %eq3A = arith.constant 0 : i32
      %eq3A_57 = arith.cmpi eq, %jit3A, %eq3A : i32
      %jit3A_58 = arith.constant 1 : i32
      %select_n3A = arith.select %eq3A_57, %jit3A_58, %jit3A : i32
      %rem3A = arith.remsi %scan3A_56, %select_n3A : i32
      %ne3A = arith.constant 0 : i32
      %ne3A_59 = arith.cmpi ne, %rem3A, %ne3A : i32
      %lt3A = arith.constant 0 : i32
      %lt3A_60 = arith.cmpi slt, %rem3A, %lt3A : i32
      %lt3A_61 = arith.constant 0 : i32
      %lt3A_62 = arith.cmpi slt, %select_n3A, %lt3A_61 : i32
      %ne3A_63 = arith.xori %lt3A_60, %lt3A_62 : i1
      %and3A = arith.andi %ne3A_63, %ne3A_59 : i1
      %add3A_64 = arith.addi %rem3A, %select_n3A : i32
      %select_n3A_65 = arith.select %and3A, %add3A_64, %rem3A : i32
      %ge3A = arith.constant 2 : i32
      %ge3A_66 = arith.cmpi sge, %scan3A_56, %ge3A : i32
      %convert_element_type3A = arith.extui %ge3A_66 : i1 to i32
      %cond3A = arith.constant 0 : i32
      %cond3A_67 = arith.cmpi ne, %convert_element_type3A, %cond3A : i32
      scf.if %cond3A_67 {
        %sub3A = arith.constant 2 : i32
        %sub3A_100 = arith.subi %scan3A_56, %sub3A : i32
        %sub3A_101 = arith.constant 2 : i32
        %sub3A_102 = arith.subi %scan3A_56, %sub3A_101 : i32
        %jit3A_103 = arith.constant 4 : i32
        %eq3A_104 = arith.constant 0 : i32
        %eq3A_105 = arith.cmpi eq, %jit3A_103, %eq3A_104 : i32
        %jit3A_106 = arith.constant 1 : i32
        %select_n3A_107 = arith.select %eq3A_105, %jit3A_106, %jit3A_103 : i32
        %rem3A_108 = arith.remsi %sub3A_102, %select_n3A_107 : i32
        %ne3A_109 = arith.constant 0 : i32
        %ne3A_110 = arith.cmpi ne, %rem3A_108, %ne3A_109 : i32
        %lt3A_111 = arith.constant 0 : i32
        %lt3A_112 = arith.cmpi slt, %rem3A_108, %lt3A_111 : i32
        %lt3A_113 = arith.constant 0 : i32
        %lt3A_114 = arith.cmpi slt, %select_n3A_107, %lt3A_113 : i32
        %ne3A_115 = arith.xori %lt3A_112, %lt3A_114 : i1
        %and3A_116 = arith.andi %ne3A_115, %ne3A_110 : i1
        %add3A_117 = arith.addi %rem3A_108, %select_n3A_107 : i32
        %select_n3A_118 = arith.select %and3A_116, %add3A_117, %rem3A_108 : i32
        %mul3A_119 = arith.constant 208 : i32
        %mul3A_120 = arith.muli %sub3A_100, %mul3A_119 : i32
        %add3A_121 = arith.addi %mul3A_2, %mul3A_120 : i32
        %dma_wait3A_122 = arith.constant 0 : i32
        %dma_wait3A_123 = arith.constant 0 : i32
        %dma_wait3A_124 = tpu.memref_slice %arg7[%select_n3A_118, %dma_wait3A_122, %dma_wait3A_123] : memref<4x208x128xf32, #tpu.memory_space<vmem>> -> memref<1x208x128xf32, #tpu.memory_space<vmem>>
        %dma_wait3A_125 = tpu.memref_squeeze %dma_wait3A_124 : memref<1x208x128xf32, #tpu.memory_space<vmem>> -> memref<208x128xf32, #tpu.memory_space<vmem>>
        %dma_wait3A_126 = arith.constant 0 : i32
        %dma_wait3A_127 = tpu.memref_slice %arg5[%add3A_121, %dma_wait3A_126] : memref<425984x128xf32, #tpu.memory_space<hbm>> -> memref<208x128xf32, #tpu.memory_space<hbm>>
        %dma_wait3A_128 = arith.constant 0 : i32
        %dma_wait3A_129 = tpu.memref_slice %arg5[%add3A_121, %dma_wait3A_128] : memref<425984x128xf32, #tpu.memory_space<hbm>> -> memref<208x128xf32, #tpu.memory_space<hbm>>
        %dma_wait3A_130 = arith.constant 0 : i32
        %dma_wait3A_131 = arith.constant 0 : i32
        %dma_wait3A_132 = tpu.memref_slice %arg7[%select_n3A_118, %dma_wait3A_130, %dma_wait3A_131] : memref<4x208x128xf32, #tpu.memory_space<vmem>> -> memref<1x208x128xf32, #tpu.memory_space<vmem>>
        %dma_wait3A_133 = tpu.memref_squeeze %dma_wait3A_132 : memref<1x208x128xf32, #tpu.memory_space<vmem>> -> memref<208x128xf32, #tpu.memory_space<vmem>>
        tpu.wait_dma2 semaphore(%arg9 : memref<!tpu.dma_semaphore, #tpu.memory_space<semaphore_mem>>) src(%dma_wait3A_133 : memref<208x128xf32, #tpu.memory_space<vmem>>) dst(%dma_wait3A_129 : memref<208x128xf32, #tpu.memory_space<hbm>>)
      } else {
      }
      %add3A_68 = arith.constant 2 : i32
      %add3A_69 = arith.addi %scan3A_56, %add3A_68 : i32
      %lt3A_70 = arith.constant 64 : i32
      %lt3A_71 = arith.cmpi slt, %add3A_69, %lt3A_70 : i32
      %convert_element_type3A_72 = arith.extui %lt3A_71 : i1 to i32
      %cond3A_73 = arith.constant 0 : i32
      %cond3A_74 = arith.cmpi ne, %convert_element_type3A_72, %cond3A_73 : i32
      scf.if %cond3A_74 {
        %add3A_100 = arith.constant 2 : i32
        %add3A_101 = arith.addi %scan3A_56, %add3A_100 : i32
        %add3A_102 = arith.constant 2 : i32
        %add3A_103 = arith.addi %scan3A_56, %add3A_102 : i32
        %jit3A_104 = arith.constant 4 : i32
        %eq3A_105 = arith.constant 0 : i32
        %eq3A_106 = arith.cmpi eq, %jit3A_104, %eq3A_105 : i32
        %jit3A_107 = arith.constant 1 : i32
        %select_n3A_108 = arith.select %eq3A_106, %jit3A_107, %jit3A_104 : i32
        %rem3A_109 = arith.remsi %add3A_103, %select_n3A_108 : i32
        %ne3A_110 = arith.constant 0 : i32
        %ne3A_111 = arith.cmpi ne, %rem3A_109, %ne3A_110 : i32
        %lt3A_112 = arith.constant 0 : i32
        %lt3A_113 = arith.cmpi slt, %rem3A_109, %lt3A_112 : i32
        %lt3A_114 = arith.constant 0 : i32
        %lt3A_115 = arith.cmpi slt, %select_n3A_108, %lt3A_114 : i32
        %ne3A_116 = arith.xori %lt3A_113, %lt3A_115 : i1
        %and3A_117 = arith.andi %ne3A_116, %ne3A_111 : i1
        %add3A_118 = arith.addi %rem3A_109, %select_n3A_108 : i32
        %select_n3A_119 = arith.select %and3A_117, %add3A_118, %rem3A_109 : i32
        %mul3A_120 = arith.constant 208 : i32
        %mul3A_121 = arith.muli %add3A_101, %mul3A_120 : i32
        %dma_start3A_122 = arith.constant 0 : i32
        %dma_start3A_123 = arith.constant 0 : i32
        %dma_start3A_124 = tpu.memref_slice %arg7[%select_n3A_119, %dma_start3A_122, %dma_start3A_123] : memref<4x208x128xf32, #tpu.memory_space<vmem>> -> memref<1x208x128xf32, #tpu.memory_space<vmem>>
        %dma_start3A_125 = tpu.memref_squeeze %dma_start3A_124 : memref<1x208x128xf32, #tpu.memory_space<vmem>> -> memref<208x128xf32, #tpu.memory_space<vmem>>
        %dma_start3A_126 = tpu.memref_slice %arg6[%mul3A_121] : memref<13312xi32, #tpu.memory_space<vmem>> -> memref<208xi32, #tpu.memory_space<vmem>>
        %dma_start3A_127 = arith.constant 0 : i32
        %dma_start3A_128 = arith.constant 0 : i32
        %dma_start3A_129 = tpu.memref_slice %arg2[%dma_start3A_127, %dma_start3A_128] : memref<100000x128xf32, #tpu.memory_space<hbm>> -> memref<100000x128xf32, #tpu.memory_space<hbm>>
        tpu.enqueue_indirect_dma source(%dma_start3A_129 : memref<100000x128xf32, #tpu.memory_space<hbm>>) target(%dma_start3A_125 : memref<208x128xf32, #tpu.memory_space<vmem>>) offsets(%dma_start3A_126 : memref<208xi32, #tpu.memory_space<vmem>>) semaphore(%arg8 : memref<!tpu.dma_semaphore, #tpu.memory_space<semaphore_mem>>)
      } else {
      }
      %mul3A_75 = arith.constant 208 : i32
      %mul3A_76 = arith.muli %scan3A_56, %mul3A_75 : i32
      %dma_wait3A_77 = arith.constant 0 : i32
      %dma_wait3A_78 = arith.constant 0 : i32
      %dma_wait3A_79 = tpu.memref_slice %arg7[%select_n3A_65, %dma_wait3A_77, %dma_wait3A_78] : memref<4x208x128xf32, #tpu.memory_space<vmem>> -> memref<1x208x128xf32, #tpu.memory_space<vmem>>
      %dma_wait3A_80 = tpu.memref_squeeze %dma_wait3A_79 : memref<1x208x128xf32, #tpu.memory_space<vmem>> -> memref<208x128xf32, #tpu.memory_space<vmem>>
      %dma_wait3A_81 = tpu.memref_slice %arg6[%mul3A_76] : memref<13312xi32, #tpu.memory_space<vmem>> -> memref<208xi32, #tpu.memory_space<vmem>>
      %dma_wait3A_82 = arith.constant 0 : i32
      %dma_wait3A_83 = arith.constant 0 : i32
      %dma_wait3A_84 = tpu.memref_slice %arg2[%dma_wait3A_82, %dma_wait3A_83] : memref<100000x128xf32, #tpu.memory_space<hbm>> -> memref<100000x128xf32, #tpu.memory_space<hbm>>
      tpu.wait_indirect_dma semaphore(%arg8 : memref<!tpu.dma_semaphore, #tpu.memory_space<semaphore_mem>>) src(%dma_wait3A_84 : memref<100000x128xf32, #tpu.memory_space<hbm>>) dst(%dma_wait3A_80 : memref<208x128xf32, #tpu.memory_space<vmem>>)
      %mul3A_85 = arith.constant 208 : i32
      %mul3A_86 = arith.muli %scan3A_56, %mul3A_85 : i32
      %add3A_87 = arith.addi %mul3A_2, %mul3A_86 : i32
      %dma_start3A_88 = arith.constant 0 : i32
      %dma_start3A_89 = arith.constant 0 : i32
      %dma_start3A_90 = tpu.memref_slice %arg7[%select_n3A_65, %dma_start3A_88, %dma_start3A_89] : memref<4x208x128xf32, #tpu.memory_space<vmem>> -> memref<1x208x128xf32, #tpu.memory_space<vmem>>
      %dma_start3A_91 = tpu.memref_squeeze %dma_start3A_90 : memref<1x208x128xf32, #tpu.memory_space<vmem>> -> memref<208x128xf32, #tpu.memory_space<vmem>>
      %dma_start3A_92 = arith.constant 0 : i32
      %dma_start3A_93 = tpu.memref_slice %arg5[%add3A_87, %dma_start3A_92] : memref<425984x128xf32, #tpu.memory_space<hbm>> -> memref<208x128xf32, #tpu.memory_space<hbm>>
      %dma_start3A_94 = arith.constant 0 : i32
      %dma_start3A_95 = tpu.memref_slice %arg5[%add3A_87, %dma_start3A_94] : memref<425984x128xf32, #tpu.memory_space<hbm>> -> memref<208x128xf32, #tpu.memory_space<hbm>>
      %dma_start3A_96 = arith.constant 0 : i32
      %dma_start3A_97 = arith.constant 0 : i32
      %dma_start3A_98 = tpu.memref_slice %arg7[%select_n3A_65, %dma_start3A_96, %dma_start3A_97] : memref<4x208x128xf32, #tpu.memory_space<vmem>> -> memref<1x208x128xf32, #tpu.memory_space<vmem>>
      %dma_start3A_99 = tpu.memref_squeeze %dma_start3A_98 : memref<1x208x128xf32, #tpu.memory_space<vmem>> -> memref<208x128xf32, #tpu.memory_space<vmem>>
      tpu.enqueue_dma source(%dma_start3A_99 : memref<208x128xf32, #tpu.memory_space<vmem>>) target(%dma_start3A_95 : memref<208x128xf32, #tpu.memory_space<hbm>>) target_semaphore(%arg9 : memref<!tpu.dma_semaphore, #tpu.memory_space<semaphore_mem>>)
    }
    %scan3A_26 = arith.constant 64 : i32
    "tpu.region"() ({
      %run_scoped3A = tpu.sem_alloc : memref<!tpu.dma_semaphore, #tpu.memory_space<semaphore_mem>>
      %dma_start3A_56 = tpu.memref_slice %arg4[%mul3A_2] : memref<425984xi32, #tpu.memory_space<hbm>> -> memref<13312xi32, #tpu.memory_space<hbm>>
      %dma_start3A_57 = tpu.memref_slice %arg4[%mul3A_2] : memref<425984xi32, #tpu.memory_space<hbm>> -> memref<13312xi32, #tpu.memory_space<hbm>>
      tpu.enqueue_dma source(%arg6 : memref<13312xi32, #tpu.memory_space<vmem>>) target(%dma_start3A_57 : memref<13312xi32, #tpu.memory_space<hbm>>) target_semaphore(%run_scoped3A : memref<!tpu.dma_semaphore, #tpu.memory_space<semaphore_mem>>)
      %dma_wait3A_58 = tpu.memref_slice %arg4[%mul3A_2] : memref<425984xi32, #tpu.memory_space<hbm>> -> memref<13312xi32, #tpu.memory_space<hbm>>
      %dma_wait3A_59 = tpu.memref_slice %arg4[%mul3A_2] : memref<425984xi32, #tpu.memory_space<hbm>> -> memref<13312xi32, #tpu.memory_space<hbm>>
      tpu.wait_dma2 semaphore(%run_scoped3A : memref<!tpu.dma_semaphore, #tpu.memory_space<semaphore_mem>>) src(%arg6 : memref<13312xi32, #tpu.memory_space<vmem>>) dst(%dma_wait3A_59 : memref<13312xi32, #tpu.memory_space<hbm>>)
      tpu.yield
    }) : () -> ()
    %add3A_27 = arith.constant 12896 : i32
    %add3A_28 = arith.addi %mul3A_2, %add3A_27 : i32
    %dma_wait3A = arith.constant 2 : i32
    %dma_wait3A_29 = arith.constant 0 : i32
    %dma_wait3A_30 = arith.constant 0 : i32
    %dma_wait3A_31 = tpu.memref_slice %arg7[%dma_wait3A, %dma_wait3A_29, %dma_wait3A_30] : memref<4x208x128xf32, #tpu.memory_space<vmem>> -> memref<1x208x128xf32, #tpu.memory_space<vmem>>
    %dma_wait3A_32 = tpu.memref_squeeze %dma_wait3A_31 : memref<1x208x128xf32, #tpu.memory_space<vmem>> -> memref<208x128xf32, #tpu.memory_space<vmem>>
    %dma_wait3A_33 = arith.constant 0 : i32
    %dma_wait3A_34 = tpu.memref_slice %arg5[%add3A_28, %dma_wait3A_33] : memref<425984x128xf32, #tpu.memory_space<hbm>> -> memref<208x128xf32, #tpu.memory_space<hbm>>
    %dma_wait3A_35 = arith.constant 0 : i32
    %dma_wait3A_36 = tpu.memref_slice %arg5[%add3A_28, %dma_wait3A_35] : memref<425984x128xf32, #tpu.memory_space<hbm>> -> memref<208x128xf32, #tpu.memory_space<hbm>>
    %dma_wait3A_37 = arith.constant 0 : i32
    %dma_wait3A_38 = arith.constant 0 : i32
    %dma_wait3A_39 = tpu.memref_slice %arg7[%dma_wait3A, %dma_wait3A_37, %dma_wait3A_38] : memref<4x208x128xf32, #tpu.memory_space<vmem>> -> memref<1x208x128xf32, #tpu.memory_space<vmem>>
    %dma_wait3A_40 = tpu.memref_squeeze %dma_wait3A_39 : memref<1x208x128xf32, #tpu.memory_space<vmem>> -> memref<208x128xf32, #tpu.memory_space<vmem>>
    tpu.wait_dma2 semaphore(%arg9 : memref<!tpu.dma_semaphore, #tpu.memory_space<semaphore_mem>>) src(%dma_wait3A_40 : memref<208x128xf32, #tpu.memory_space<vmem>>) dst(%dma_wait3A_36 : memref<208x128xf32, #tpu.memory_space<hbm>>)
    %add3A_41 = arith.constant 13104 : i32
    %add3A_42 = arith.addi %mul3A_2, %add3A_41 : i32
    %dma_wait3A_43 = arith.constant 3 : i32
    %dma_wait3A_44 = arith.constant 0 : i32
    %dma_wait3A_45 = arith.constant 0 : i32
    %dma_wait3A_46 = tpu.memref_slice %arg7[%dma_wait3A_43, %dma_wait3A_44, %dma_wait3A_45] : memref<4x208x128xf32, #tpu.memory_space<vmem>> -> memref<1x208x128xf32, #tpu.memory_space<vmem>>
    %dma_wait3A_47 = tpu.memref_squeeze %dma_wait3A_46 : memref<1x208x128xf32, #tpu.memory_space<vmem>> -> memref<208x128xf32, #tpu.memory_space<vmem>>
    %dma_wait3A_48 = arith.constant 0 : i32
    %dma_wait3A_49 = tpu.memref_slice %arg5[%add3A_42, %dma_wait3A_48] : memref<425984x128xf32, #tpu.memory_space<hbm>> -> memref<208x128xf32, #tpu.memory_space<hbm>>
    %dma_wait3A_50 = arith.constant 0 : i32
    %dma_wait3A_51 = tpu.memref_slice %arg5[%add3A_42, %dma_wait3A_50] : memref<425984x128xf32, #tpu.memory_space<hbm>> -> memref<208x128xf32, #tpu.memory_space<hbm>>
    %dma_wait3A_52 = arith.constant 0 : i32
    %dma_wait3A_53 = arith.constant 0 : i32
    %dma_wait3A_54 = tpu.memref_slice %arg7[%dma_wait3A_43, %dma_wait3A_52, %dma_wait3A_53] : memref<4x208x128xf32, #tpu.memory_space<vmem>> -> memref<1x208x128xf32, #tpu.memory_space<vmem>>
    %dma_wait3A_55 = tpu.memref_squeeze %dma_wait3A_54 : memref<1x208x128xf32, #tpu.memory_space<vmem>> -> memref<208x128xf32, #tpu.memory_space<vmem>>
    tpu.wait_dma2 semaphore(%arg9 : memref<!tpu.dma_semaphore, #tpu.memory_space<semaphore_mem>>) src(%dma_wait3A_55 : memref<208x128xf32, #tpu.memory_space<vmem>>) dst(%dma_wait3A_51 : memref<208x128xf32, #tpu.memory_space<hbm>>)
    return
  }
}

module attributes {stable_mosaic.version = 14 : i64} {
  func.func @_copy_body(%arg0: i32, %arg1: memref<800x128xf32, #tpu.memory_space<vmem>>, %arg2: memref<800x128xf32, #tpu.memory_space<vmem>>) attributes {dimension_semantics = [#tpu.dimension_semantics<arbitrary>], iteration_bounds = array<i64: 125>, scalar_prefetch = 0 : i64, scratch_operands = 0 : i64, tpu.core_type = #tpu.core_type<tc>, window_params = [{transform_indices = @transform_0, window_bounds = array<i64: 800, 128>}, {transform_indices = @transform_1, window_bounds = array<i64: 800, 128>}]} {
    %get3A = arith.constant 0 : index
    %get3A_0 = arith.constant 0 : index
    %get3A_1 = vector.load %arg1[%get3A, %get3A_0] : memref<800x128xf32, #tpu.memory_space<vmem>>, vector<800x128xf32>
    %swap3A = arith.constant 0 : index
    %swap3A_2 = arith.constant 0 : index
    %swap3A_3 = vector.load %arg2[%swap3A, %swap3A_2] : memref<800x128xf32, #tpu.memory_space<vmem>>, vector<800x128xf32>
    tpu.vector_store %arg2[%swap3A, %swap3A_2], %get3A_1 {strides = array<i32>} : memref<800x128xf32, #tpu.memory_space<vmem>>, vector<800x128xf32>,
    return
  }
  func.func @transform_0(%arg0: i32) -> (i32, i32) {
    %c0_i32 = arith.constant 0 : i32
    %c0_i32_0 = arith.constant 0 : i32
    return %arg0, %c0_i32 : i32, i32
  }
  func.func @transform_1(%arg0: i32) -> (i32, i32) {
    %c0_i32 = arith.constant 0 : i32
    %c0_i32_0 = arith.constant 0 : i32
    return %arg0, %c0_i32 : i32, i32
  }
}

</mosaic_0001>

<sc_bundles>
// kernel: kernel.4.cloned.1.call-start
scs
__scs_entry_jumppad:
0x0: {  	(pc) =	sbr.rel $0x88, $3  }
0x1: {  	(tag) =	ssettag $0x0;
	lr =	simm.s32 $0x1  }
0x2: {  	[smem:$0x3F9F] =	sst lr;
	_ =	strace $0xD0000000  }
0x3: {  	_ = 	snop  }
0x4: {  	_ = 	snop  }
0x5: {  	_ = 	snop  }
0x6: {  	_ = 	snop  }
0x7: {  	_ = 	snop  }
__scs_overlays_trampoline_lowered:
0x8: {  	[smem:$0x3FAE] =	sst s0  }
0x9: {  	[smem:$0x3FAF] =	sst s1  }
0xa: {  	[smem:$0x3FB0] =	sst s2  }
0xb: {  	[smem:$0x3FB1] =	sst s3  }
0xc: {  	[smem:$0x3FB2] =	sst s4  }
0xd: {  	[smem:$0x3FB3] =	sst s5  }
0xe: {  	[smem:$0x3FB4] =	sst s6  }
0xf: {  	[smem:$0x3FB5] =	sst s7  }
0x10: {  	[smem:$0x3FB6] =	sst s8  }
0x11: {  	[smem:$0x3FB7] =	sst s9;
	s0 =	simm.s32 @!p0 $0x0  }
0x12: {  	s1 =	sld [smem:$0x3F9D];
	s0 =	simm.s32 @p0 $0x1  }
0x13: {  	[smem:$0x3FB8] =	sst s0;
	s0 =	simm.s32 @!p1 $0x0  }
0x14: {  	s2 =	sld [smem:$0x3F9C];
	s0 =	simm.s32 @p1 $0x1  }
0x15: {  	[smem:$0x3FB9] =	sst s0;
	s0 =	simm.s32 @!p2 $0x0  }
0x16: {  	s3 =	sld [smem:$0x3FDB];
	s0 =	simm.s32 @p2 $0x1  }
0x17: {  	s4 =	simm.s32 $0x1BF5;
	[smem:$0x3FBB] =	sst s0  }
0x18: {  	s0 =	sld [smem:$0x3F9E];
	_ =	swait.ge [sflag:s4], $0x0  }
0x19: {  	s7 =	sld [smem:$0x3F9F]  }
0x1a: {  	s8 =	sadd.s32 $0xFFFFE003, lr  }
0x1b: {  	s9 =	sadd.s32 $0xFFFFFEF7, lr;
	s5 =	simm.s32 $0xFFFFFFFF;
	p2 =	slt.u32 s8, $0xFFFFF086  }
0x1c: {  	p1 =	slt.u32 s9, $0xF7A;
	s5 =	simm.s32 @!p2 $0x0  }
0x1d: {  	s5 =	simm.s32 @p1 $0x1;
	p0 =	seq.s32 s7, s2  }
0x1e: {  	s7 =	smul.u32 @!p0 $0xF7A, s2;
	p2 =	seq.s32 @!p0 s5, $0x0  }
0x1f: {  	s9 =	smul.u32 $0xF7A, s1;
	s8 =	simm.s32 @!p0 $0x1BF5;
	p2 =	por !p2, p0  }
0x20: {  	[sflag:s8] =	ssyncset.s32 @!p0 $0xFFFFF086;
	s6 =	sadd.s32 @!p0 s3, s7;
	s7 =	simm.s32 @!p0 $0x108  }
0x21: {  	s3 =	sadd.s32 s3, s9;
	s6 =	sadd.s32 @!p0 $0x88, s6;
	s7 =	simm.s32 @p2 $0x1082  }
0x22: {  	[simem:s7], [sflag:s8] =	dma.local @!p0 [hbm:s6], $0xF7A  }
0x23: {  	s9 =	sor.u32 $0xD0000000, s2;
	s6 =	simm.s32 $0x108;
	_ =	swait.ge @!p0 [sflag:s8], $0x0  }
0x24: {  	s3 =	sadd.s32 $0x88, s3;
	s6 =	simm.s32 @!p1 $0x1082;
	[sflag:s4] =	ssyncset.s32 $0xFFFFF086  }
0x25: {  	[simem:s6], [sflag:s4] =	dma.local [hbm:s3], $0xF7A  }
0x26: {  	[smem:$0x3F9F] =	sst s1;
	(tag) =	ssettag s2;
	_ =	strace s9  }
0x27: {  	s1 =	sld [smem:$0x3FAF]  }
0x28: {  	s2 =	sld [smem:$0x3FB0]  }
0x29: {  	s4 =	sld [smem:$0x3FB2]  }
0x2a: {  	p0 =	seq.s32 s5, $0x0;
	s5 =	sld [smem:$0x3FB3]  }
0x2b: {  	s6 =	sld [smem:$0x3FB4]  }
0x2c: {  	s7 =	sld [smem:$0x3FB5]  }
0x2d: {  	s3 =	simm.s32 $0x108;
	s8 =	sld [smem:$0x3FB6]  }
0x2e: {  	s3 =	simm.s32 @!p0 $0x1082;
	s9 =	sld [smem:$0x3FB7]  }
0x2f: {  	lr =	sadd.s32 s0, s3;
	s0 =	sld [smem:$0x3FAE]  }
0x30: {  	s3 =	sld [smem:$0x3FB1]  }
0x31: {  	[smem:$0x3FBA] =	sst s10  }
0x32: {  	s10 =	sld [smem:$0x3FB8];
	_ =	sdelay $0x3  }
0x33: {  	p0 =	seq.s32 s10, $0x1;
	s10 =	sld [smem:$0x3FBA];
	_ =	sdelay $0x3  }
0x34: {  	[smem:$0x3FBA] =	sst s10  }
0x35: {  	s10 =	sld [smem:$0x3FB9];
	_ =	sdelay $0x3  }
0x36: {  	p1 =	seq.s32 s10, $0x1;
	s10 =	sld [smem:$0x3FBA];
	_ =	sdelay $0x3  }
0x37: {  	[smem:$0x3FBA] =	sst s10  }
0x38: {  	s10 =	sld [smem:$0x3FBB]  }
0x39: {  	_ = 	snop;
	(pc) =	sbr.ind lr, $3  }
0x3a: {  	_ = 	snop  }
0x3b: {  	_ = 	snop  }
0x3c: {  	p2 =	seq.s32 s10, $0x1;
	s10 =	sld [smem:$0x3FBA]  }
0x3d: {  	_ =	shalt  }
0x3e: {  	_ =	shalt  }
0x3f: {  	_ =	shalt  }
0x40: {  	_ =	shalt  }
0x41: {  	_ =	shalt  }
0x42: {  	_ =	shalt  }
0x43: {  	_ =	shalt  }
0x44: {  	_ =	shalt  }
0x45: {  	_ =	shalt  }
0x46: {  	_ =	shalt  }
0x47: {  	_ =	shalt  }
0x48: {  	_ =	shalt  }
0x49: {  	_ =	shalt  }
0x4a: {  	_ =	shalt  }
0x4b: {  	_ =	shalt  }
0x4c: {  	_ =	shalt  }
0x4d: {  	_ =	shalt  }
0x4e: {  	_ =	shalt  }
0x4f: {  	_ =	shalt  }
0x50: {  	_ =	shalt  }
0x51: {  	_ =	shalt  }
0x52: {  	_ =	shalt  }
0x53: {  	_ =	shalt  }
0x54: {  	_ =	shalt  }
0x55: {  	_ =	shalt  }
0x56: {  	_ =	shalt  }
0x57: {  	_ =	shalt  }
0x58: {  	_ =	shalt  }
0x59: {  	_ =	shalt  }
0x5a: {  	_ =	shalt  }
0x5b: {  	_ =	shalt  }
0x5c: {  	_ =	shalt  }
0x5d: {  	_ =	shalt  }
0x5e: {  	_ =	shalt  }
0x5f: {  	_ =	shalt  }
0x60: {  	_ =	shalt  }
0x61: {  	_ =	shalt  }
0x62: {  	_ =	shalt  }
0x63: {  	_ =	shalt  }
0x64: {  	_ =	shalt  }
0x65: {  	_ =	shalt  }
0x66: {  	_ =	shalt  }
0x67: {  	_ =	shalt  }
0x68: {  	_ =	shalt  }
0x69: {  	_ =	shalt  }
0x6a: {  	_ =	shalt  }
0x6b: {  	_ =	shalt  }
0x6c: {  	_ =	shalt  }
0x6d: {  	_ =	shalt  }
0x6e: {  	_ =	shalt  }
0x6f: {  	_ =	shalt  }
0x70: {  	_ =	shalt  }
0x71: {  	_ =	shalt  }
0x72: {  	_ =	shalt  }
0x73: {  	_ =	shalt  }
0x74: {  	_ =	shalt  }
0x75: {  	_ =	shalt  }
0x76: {  	_ =	shalt  }
0x77: {  	_ =	shalt  }
0x78: {  	_ =	shalt  }
0x79: {  	_ =	shalt  }
0x7a: {  	_ =	shalt  }
0x7b: {  	_ =	shalt  }
0x7c: {  	_ =	shalt  }
0x7d: {  	_ =	shalt  }
0x7e: {  	_ =	shalt  }
0x7f: {  	_ =	shalt  }
0x80: {  	_ =	shalt  }
0x81: {  	_ =	shalt  }
0x82: {  	_ =	shalt  }
0x83: {  	_ =	shalt  }
0x84: {  	_ =	shalt  }
0x85: {  	_ =	shalt  }
0x86: {  	_ =	shalt  }
0x87: {  	_ =	shalt  }
.Lfunc_end0:
.L_simem_size_0:
called_computation_lowered:
.L_overlay_start_0:
0x88: {  	s2 =	sld [smem:$0x3FD9]  }
0x89: {  	s3 =	sld [smem:$0x3FFE];
	_ =	sdelay $0x1  }
0x8a: {  	s1 =	srdreg.scid  }
0x8b: {  	s0 =	sand.u32 $0x1, s1  }
0x8c: {  	s15 =	sshll.u32 s0, $0xA;
	s2 =	sadd.s32 s3, s2  }
0x8d: {  	s2 =	sadd.s32 s2, s15  }
0x8e: {  	[smem:$0x3FC6] =	sst s2  }
0x8f: {  	_ = 	snop  }
0x90: {  	s2 =	sld [smem:$0x3FD0];
	_ =	sdelay $0x1  }
0x91: {  	s16 =	sld [smem:$0x3FC9]  }
0x92: {  	s5 =	simm.s32 $0xA;
	s6 =	simm.s32 $0x10;
	s4 =	sld [smem:$0x3FC8]  }
0x93: {  	[smem:s6], [sflag:s5] =	dma.local [hbm:s2], $0x1  }
0x94: {  	_ =	swait.eq [sflag:s5], $0x1  }
0x95: {  	[sflag:s5] =	ssyncset.done $0x0  }
0x96: {  	s17 =	sld [smem:$0x11];
	[sflag:s5] =	ssyncadd.s32 $0xFFFFFFFF  }
0x97: {  	s18 =	sld [smem:$0x12];
	(tm) =	ssettm $0x1  }
0x98: {  	s19 =	sld [smem:$0x3FFB];
	_ =	sdelay $0x3  }
0x99: {  	_ =	strace s19  }
0x9a: {  	s6 =	sld [smem:$0x3FFC];
	_ =	sdelay $0x3  }
0x9b: {  	_ =	strace s6  }
0x9c: {  	s6 =	sld [smem:$0x3FFD];
	_ =	sdelay $0x3  }
0x9d: {  	_ =	strace s6  }
0x9e: {  	_ =	strace $0x8FFFFFFF  }
0x9f: {  	s20 =	sld [smem:$0x3FDB];
	_ =	sdelay $0x1  }
0xa0: {  	s7 =	simm.s32 $_scs_section_size  }
0xa1: {  	s8 =	simm.s32 $_size__tile_overlayer_lowered;
	s9 =	simm.s32 $_tile_overlayer_lowered  }
0xa2: {  	s23 =	simm.s32 $0x1BFF;
	s22 =	sshll.u32 s9, $0x1;
	s6 =	sadd.s32 s7, s20  }
0xa3: {  	s10 =	simm.s32 $0x0;
	s21 =	sshll.u32 s8, $0x1;
	s8 =	sadd.s32 s22, s6  }
0xa4: {  	[timem:s10], [sflag:s23] =	dma.local [hbm:s8], s21  }
0xa5: {  	_ =	swait.ge [sflag:s23], s21  }
0xa6: {  	s7 =	ssub.s32 $0x0, s21;
	[sflag:s23] =	ssyncset.done $0x0  }
0xa7: {  	[sflag:s23] =	ssyncadd.s32 s7;
	_ =	sdelay $0x1  }
0xa8: {  	s24 =	simm.s32 $0x1B8B  }
0xa9: {  	_ =	swait.ge [sflag:s24], $0x1  }
0xaa: {  	[sflag:s24] =	ssyncset.done $0x0  }
0xab: {  	s25 =	simm.s32 $0x1B8E;
	[sflag:s24] =	ssyncadd.s32 $0xFFFFFFFF  }
0xac: {  	s26 =	simm.s32 $execute0_lowered;
	[smem:$0x3FD2] =	sst s25  }
0xad: {  	s7 =	sshll.u32 s26, $0x1;
	_ =	strace $0x80000046;
	[dreg:$0x1] =	wrdreg $0xFFFFFFFF  }
0xae: {  	s28 =	simm.s32 $_size_execute0_lowered;
	s6 =	sadd.s32 s6, s7;
	[dreg:$0x0] =	wrdreg $0x0  }
0xaf: {  	s7 =	sshll.u32 s28, $0x1;
	[dreg:$0x2] =	wrdreg s6  }
0xb0: {  	[dreg:$0x3] =	wrdreg s7  }
0xb1: {  	[dreg:$0x4] =	wrdreg $0xC0  }
0xb2: {  	_ =	task [dreg:s10], $0x5FFFF  }
0xb3: {  	[dreg:$0x1] =	wrdreg $0xFFFFFFFF  }
0xb4: {  	[dreg:$0x0] =	wrdreg $0x60  }
0xb5: {  	[dreg:$0x2] =	wrdreg s16  }
0xb6: {  	[dreg:$0x3] =	wrdreg s4  }
0xb7: {  	[dreg:$0x4] =	wrdreg s17  }
0xb8: {  	[dreg:$0x5] =	wrdreg s18  }
0xb9: {  	[dreg:$0x6] =	wrdreg $0x9  }
0xba: {  	_ =	task.clear_ibuf [dreg:s10], $0x7FFFF;
	_ =	strace $0x90000046  }
0xbb: {  	s29 =	simm.s32 $0x9;
	_ =	strace $0x80000048  }
0xbc: {  	_ =	swait.ge [sflag:s29], $0x1  }
0xbd: {  	[sflag:s29] =	ssyncadd.s32 $0xFFFFFFFF  }
0xbe: {  	_ =	strace $0x90000048  }
0xbf: {  	_ =	sfence  }
0xc0: {  	s30 =	sld [smem:$0x0];
	_ =	sdelay $0x2  }
0xc1: {  	s31 =	sshll.u32 s1, $0xD;
	s1 =	sshrl.u32 s1, $0x2  }
0xc2: {  	s3 =	sand.u32 $0x4000, s31;
	s1 =	sadd.s32 s1, s30  }
0xc3: {  	s0 =	sor.u32 s3, s0;
	s1 =	sshll.u32 s1, $0x11  }
0xc4: {  	s0 =	sor.u32 s1, s0  }
0xc5: {  	s0 =	sadd.s32 $0x8F2B, s0  }
0xc6: {  	[sflag:s0] =	ssyncadd.remote.s32 $0x1  }
0xc7: {  	_ =	sfence.sel $0xFFFF  }
0xc8: {  	[dreg:$0x0] =	wrdreg $0xFFFFFFFF;
	(pc) =	sbr.abs _section_cstart, $3  }
0xc9: {  	[dreg:$0x1] =	wrdreg $0xFFFFFFFF  }
0xca: {  	_ =	task.clear_ibuf [dreg:s10], $0x2FFFF;
	_ =	strace $0x9FFFFFFF  }
0xcb: {  	(tm) =	ssettm $0x7FFFFFFF  }
tec
execute0_lowered:
.L_overlay_start_1:
0x0: {  	(tag) =	ssettag $0x1  }
0x1: {  	s1 =	rddreg [dreg:$0x0]  }
0x2: {  	s4 =	rddreg [dreg:$0x1]  }
0x3: {  	s5 =	rddreg [dreg:$0x2];
	s2 =	srdreg.scid  }
0x4: {  	s0 =	stileid.u32;
	s7 =	rddreg [dreg:$0x3];
	s3 =	simm.s32 $0x0  }
0x5: {  	s13 =	simm.s32 $0x9C00;
	s14 =	simm.s32 $0x1A0;
	s15 =	simm.s32 $0x10400  }
0x6: {  	s16 =	simm.s32 $0x1;
	s17 =	simm.s32 $0x270;
	s18 =	simm.s32 $0x16C00  }
0x7: {  	s19 =	simm.s32 $0x2;
	s20 =	simm.s32 $0x0;
	s6 =	sand.u32 $0x1, s2  }
0x8: {  	s8 =	sshll.u32 s0, $0x1;
	s2 =	rddreg [dreg:$0x4];
	s12 =	smul.u32 $0x68000, s0  }
0x9: {  	[smem:$0x7FF] =	sst s3;
	s8 =	sor.u32 s6, s8;
	s30 =	smul.u32 $0x34000, s6  }
0xa: {  	_ =	strace $0x80000047;
	s10 =	ssub.s32 $0x2, s6;
	s9 =	smul.u32 $0x3400, s8  }
0xb: {  	s8 =	smul.u32 $0x34000, s8;
	s11 =	sshrl.u32 s10, $0x1;
	s31 =	sadd.s32 s12, s7  }
0xc: {  	s12 =	simm.s32 $0x3400;
	s10 =	ssub.s32 s10, s11;
	s11 =	simm.s32 $0xD0  }
0xd: {  	s9 =	sshrl.u32 s9, $0x3;
	s6 =	sadd.s32 s7, s8;
	s7 =	smax.u32 s10, $0x1  }
0xe: {  	s4 =	sadd.s32 s4, s9;
	s5 =	sadd.s32 s5, s9;
	s9 =	sadd.s32 s30, s31  }
0xf: {  	s10 =	simm.s32 $0x3;
	s8 =	sadd.s32 $0xD00, s6;
	s9 =	sadd.s32 $0x1A00, s9  }
.LBB2_1:
0x10: {  	[tilespmem:s3], [sflag:$0x3] =	stream.linear.gather [hbm4b:s4+s3], $0x3400, $0x38;
	[tilespmem:$0x1D400] =	vst v63  }
0x11: {  	_ =	swait.ge [sflag:s10], $0x3400  }
0x12: {  	[sflag:s10] =	ssyncset.done $0x0  }
0x13: {  	[sflag:s10] =	ssyncadd.s32 $0xFFFFCC00  }
0x14: {  	[tilespmem:s12], [sflag:$0x1] =	stream.indirect.gather [hbm4b:s1+s11], $0x80, s3, s11, $0xb8;
	[tilespmem:$0x1D400] =	vst v63  }
0x15: {  	_ = 	snop  }
0x16: {  	[tilespmem:s13], [sflag:$0x1] =	stream.indirect.gather [hbm4b:s1+s11], $0x80, s11, s11, $0xb8;
	[tilespmem:$0x1D400] =	vst v63  }
0x17: {  	_ = 	snop  }
0x18: {  	[tilespmem:s15], [sflag:$0x1] =	stream.indirect.gather [hbm4b:s1+s11], $0x80, s14, s11, $0xb8;
	[tilespmem:$0x1D400] =	vst v63  }
0x19: {  	_ =	swait.ge [sflag:s16], $0x6800  }
0x1a: {  	[sflag:s16] =	ssyncset.done $0x0  }
0x1b: {  	[sflag:s16] =	ssyncadd.s32 $0xFFFF9800  }
0x1c: {  	[hbm4b:s6+s3] =	stream.linear.scatter [tilespmem:s12], [sflag:$0x2], $0x6800, $0x38;
	[tilespmem:$0x1D400] =	vst v63  }
0x1d: {  	s21 =	simm.s32 $0x4  }
0x1e: {  	[tilespmem:s18], [sflag:$0x1] =	stream.indirect.gather [hbm4b:s1+s11], $0x80, s17, s11, $0xb8;
	[tilespmem:$0x1D400] =	vst v63  }
0x1f: {  	p0 =	por $0x0, $0x0;
	s22 =	simm.s32 $0x340;
	_ =	swait.ge [sflag:s16], $0x6800  }
0x20: {  	s23 =	simm.s32 $0x5;
	s21 =	sand.u32 @!p0 $0x3, s21;
	[sflag:s16] =	ssyncset.done $0x0  }
0x21: {  	s25 =	simm.s32 $0x2;
	s21 =	smul.u32 @!p0 $0x1A000, s21;
	[sflag:s16] =	ssyncadd.s32 $0xFFFF9800  }
0x22: {  	[hbm4b:s8+s3] =	stream.linear.scatter [tilespmem:s13], [sflag:$0x2], $0x6800, $0x38;
	[tilespmem:$0x1D400] =	vst v63  }
0x23: {  	s24 =	simm.s32 $0x6;
	s25 =	sand.u32 $0x3, s25;
	_ =	swait.ge [sflag:s19], $0x6800  }
0x24: {  	s26 =	simm.s32 @!p0 $0xD0;
	s21 =	sshrl.u32 @!p0 s21, $0x2;
	[sflag:s19] =	ssyncset.done $0x0  }
0x25: {  	s28 =	smul.u32 $0x1A000, s25;
	s21 =	sadd.s32 @!p0 $0x3400, s21;
	[sflag:s19] =	ssyncadd.s32 $0xFFFF9800  }
0x26: {  	[tilespmem:s21], [sflag:$0x1] =	stream.indirect.gather @!p0 [hbm4b:s1+s26], $0x80, s22, s26, $0xb8;
	[tilespmem:$0x1D400] =	vst v63  }
0x27: {  	s25 =	simm.s32 $0x3;
	s22 =	simm.s32 $0x410;
	_ =	swait.ge [sflag:s16], $0x6800  }
0x28: {  	s21 =	sadd.s32 $0xD00, s9;
	s26 =	smov.u32 s9;
	[sflag:s16] =	ssyncset.done $0x0  }
.LBB2_2:
0x29: {  	p1 =	sgt.u32 s25, $0x3D  }
0x2a: {  	s28 =	sshrl.u32 s28, $0x2;
	s29 =	smov.u32 s24;
	s24 =	sadd.s32 $0x1, s24  }
0x2b: {  	p0 =	sne.s32 s24, $0x42;
	s23 =	sand.u32 @!p1 $0x3, s23;
	s28 =	sadd.s32 $0x3400, s28  }
0x2c: {  	s30 =	smul.u32 @!p1 $0x1A000, s23;
	[sflag:s16] =	ssyncadd.s32 $0xFFFF9800;
	s23 =	smov.u32 s29  }
0x2d: {  	[hbm4b:s26+s3] =	stream.linear.scatter [tilespmem:s28], [sflag:$0x2], $0x6800, $0x38;
	[tilespmem:$0x1D400] =	vst v63  }
0x2e: {  	s26 =	smov.u32 s21;
	_ =	swait.ge [sflag:s19], $0x6800;
	s28 =	sshrl.u32 @!p1 s30, $0x2  }
.Ltmp0:
0x2f: {  	[sflag:s19] =	ssyncset.done $0x0;
	s28 =	sadd.s32 @!p1 $0x3400, s28;
	(pc) =	sbr.rel @p0 .LBB2_2-.Ltmp0, $4  }
0x30: {  	s25 =	sand.u32 $0x3, s25;
	s29 =	simm.s32 @!p1 $0xD0;
	[sflag:s19] =	ssyncadd.s32 $0xFFFF9800  }
0x31: {  	[tilespmem:s28], [sflag:$0x1] =	stream.indirect.gather @!p1 [hbm4b:s1+s29], $0x80, s22, s29, $0xb8;
	[tilespmem:$0x1D400] =	vst v63  }
0x32: {  	s28 =	smul.u32 $0x1A000, s25;
	s22 =	sadd.s32 $0xD0, s22;
	_ =	swait.ge [sflag:s16], $0x6800  }
0x33: {  	s21 =	sadd.s32 $0xD00, s21;
	s25 =	sadd.s32 $0xFFFFFFFE, s23;
	[sflag:s16] =	ssyncset.done $0x0  }
0x34: {  	p0 =	sgt.u32 s25, $0x3D  }
0x35: {  	s24 =	sshrl.u32 s28, $0x2;
	s23 =	sand.u32 @!p0 $0x3, s23  }
0x36: {  	[sflag:s16] =	ssyncadd.s32 $0xFFFF9800;
	s24 =	sadd.s32 $0x3400, s24;
	s23 =	smul.u32 @!p0 $0x1A000, s23  }
0x37: {  	[hbm4b:s26+s3] =	stream.linear.scatter [tilespmem:s24], [sflag:$0x2], $0x6800, $0x38;
	[tilespmem:$0x1D400] =	vst v63  }
0x38: {  	s30 =	sand.u32 $0x3, s25;
	_ =	swait.ge [sflag:s19], $0x6800  }
0x39: {  	s25 =	simm.s32 @!p0 $0xD0;
	s23 =	sshrl.u32 @!p0 s23, $0x2;
	[sflag:s19] =	ssyncset.done $0x0  }
0x3a: {  	s31 =	smul.u32 $0x1A000, s30;
	s23 =	sadd.s32 @!p0 $0x3400, s23;
	[sflag:s19] =	ssyncadd.s32 $0xFFFF9800  }
0x3b: {  	[tilespmem:s23], [sflag:$0x1] =	stream.indirect.gather @!p0 [hbm4b:s1+s25], $0x80, s22, s25, $0xb8;
	[tilespmem:$0x1D400] =	vst v63  }
0x3c: {  	_ =	swait.ge [sflag:s16], $0x6800  }
0x3d: {  	s22 =	sshrl.u32 s31, $0x2;
	[sflag:s16] =	ssyncset.done $0x0  }
0x3e: {  	s22 =	sadd.s32 $0x3400, s22;
	[sflag:s16] =	ssyncadd.s32 $0xFFFF9800  }
0x3f: {  	[hbm4b:s21+s3] =	stream.linear.scatter [tilespmem:s22], [sflag:$0x2], $0x6800, $0x38;
	[tilespmem:$0x1D400] =	vst v63  }
0x40: {  	_ = 	snop  }
0x41: {  	[hbm4b:s5+s3] =	stream.linear.scatter [tilespmem:s3], [sflag:$0x3], $0x3400, $0x38;
	[tilespmem:$0x1D400] =	vst v63  }
0x42: {  	_ =	swait.ge [sflag:s10], $0x3400  }
0x43: {  	[sflag:s10] =	ssyncset.done $0x0  }
0x44: {  	s20 =	sadd.s32 $0x1, s20;
	[sflag:s10] =	ssyncadd.s32 $0xFFFFCC00  }
0x45: {  	p0 =	sne.s32 s20, s7;
	_ =	swait.ge [sflag:s19], $0x6800  }
.Ltmp1:
0x46: {  	[sflag:s19] =	ssyncset.done $0x0;
	(pc) =	sbr.rel @p0 .LBB2_1-.Ltmp1, $4  }
0x47: {  	[sflag:s19] =	ssyncadd.s32 $0xFFFF9800  }
0x48: {  	_ =	swait.ge [sflag:s19], $0x6800  }
0x49: {  	[sflag:s19] =	ssyncset.done $0x0  }
0x4a: {  	[sflag:s19] =	ssyncadd.s32 $0xFFFF9800  }
0x4b: {  	_ =	sfence.sel $0x180000  }
0x4c: {  	[bflag:$0x0] =	sbarrier.arrive $0xFFFF  }
0x4d: {  	p0 =	sne.s32 s0, $0x0;
	_ =	strace $0x90000047  }
0x4e: {  	s0 =	sadd.s32 @!p0 $0x100000, s2;
	[bflag:$0x2] =	sbarrier.arrive $0xFFFF  }
0x4f: {  	[sflag:s0] =	ssyncadd.tile.s32 @!p0 $0x1;
	_ =	shalt  }
.Lfunc_end2:
_tile_overlayer_lowered:
.L_overlay_start_2:
0x50: {  	(tag) =	ssettag $0x2  }
0x51: {  	s0 =	rddreg [dreg:$0x0];
	s2 =	stileid.u32  }
0x52: {  	s1 =	rddreg [dreg:$0x1];
	p0 =	sne.s32 s2, $0x0  }
0x53: {  	s3 =	rddreg [dreg:$0x2];
	[bflag:$0x3] =	sbarrier.arrive $0xFFFF;
	s2 =	simm.s32 @!p0 $0x1C03  }
0x54: {  	[timem:s3], [sflag:s2] =	dma.local @!p0 [hbm:s0], s1  }
0x55: {  	s0 =	simm.s32 @!p0 $0x3  }
0x56: {  	_ =	swait.ge @!p0 [sflag:s0], s1  }
0x57: {  	s1 =	ssub.s32 @!p0 $0x0, s1;
	[sflag:s0] =	ssyncset.done @!p0 $0x0  }
0x58: {  	[sflag:s0] =	ssyncadd.s32 @!p0 s1  }
0x59: {  	[bflag:$0x3] =	sbarrier.arrive $0xFFFF  }
0x5a: {  	_ =	shalt  }

</sc_bundles>
